<compile_context>
chip_gen: v7x
topology: tpu7x:2x2x1
jax: 0.10.2.dev20260603
libtpu: 0.0.44.dev20260713+nightly
codegen_flags: <defaults>
</compile_context>

<pallas_src>
import functools

import jax
import jax.numpy as jnp
from jax import lax
from jax.experimental import pallas as pl
from jax.experimental.pallas import tpu as pltpu
from jax.experimental.pallas import tpu_sc as plsc

B, T, C = 1024, 50, 16
V, D = 1000000, 64
CV, CD = 128, 32
NF = 50
N = B * T


_NC, _NS = 2, 16
_NW = _NC * _NS
_BPW = N // _NW


def _sc_gather_call(table, idx1, idx2):
    mesh = plsc.VectorSubcoreMesh(core_axis_name="c", subcore_axis_name="s")

    @functools.partial(
        pl.kernel,
        mesh=mesh,
        compiler_params=pltpu.CompilerParams(use_tc_tiling_on_sc=False),
        out_type=(
            jax.ShapeDtypeStruct((N, D), jnp.float32),
            jax.ShapeDtypeStruct((N, D), jnp.float32),
        ),
        scratch_types=[
            pltpu.VMEM((_BPW,), jnp.int32),
            pltpu.VMEM((_BPW, D), jnp.float32),
            pltpu.SemaphoreType.DMA,
        ],
    )
    def k(table_hbm, idx1_hbm, idx2_hbm, out1_hbm, out2_hbm, idx_v, rows_v, sem):
        wid = lax.axis_index("s") * _NC + lax.axis_index("c")
        base = wid * _BPW
        for idx_hbm, out_hbm in ((idx1_hbm, out1_hbm), (idx2_hbm, out2_hbm)):
            pltpu.sync_copy(idx_hbm.at[pl.ds(base, _BPW)], idx_v)
            pltpu.async_copy(table_hbm.at[idx_v], rows_v, sem).wait()
            pltpu.sync_copy(rows_v, out_hbm.at[pl.ds(base, _BPW)])

    return k(table, idx1, idx2)



_KS = (3, 4, 5)
_PS = tuple(C - K + 1 for K in _KS)
_NFP = 64
_AROWS = sum(P * _NFP for P in _PS)
_CE = 160


def _build_AT(W3, W4, W5):
    blocks = []
    for W in (W3, W4, W5):
        K = W.shape[-1]
        P = C - K + 1
        Wp = jnp.pad(W, ((0, _NFP - NF), (0, 0), (0, 0)))
        rows = [jnp.pad(Wp, ((0, 0), (0, 0), (p, C - K - p)))
                for p in range(P)]
        blocks.append(jnp.stack(rows).reshape(-1, CD * C))
    return jnp.concatenate(blocks, axis=0)


def _char_body(qct_ref, ctbT_ref, AT_ref, bias_ref, ce_ref):
    qc = qct_ref[0]
    iota = lax.broadcasted_iota(jnp.int32, (CV, C, B), 0)
    oh = (iota == qc[None]).astype(jnp.bfloat16).reshape(CV * C, B)
    e = jnp.dot(ctbT_ref[...], oh,
                preferred_element_type=jnp.float32)
    y = jnp.dot(AT_ref[...], e.astype(jnp.bfloat16),
                preferred_element_type=jnp.float32
                ).astype(jnp.bfloat16)
    feats = []
    r0 = 0
    for P in _PS:
        m = y[r0:r0 + _NFP]
        for p in range(1, P):
            m = jnp.maximum(m, y[r0 + p * _NFP:r0 + (p + 1) * _NFP])
        feats.append(m[:NF])
        r0 += P * _NFP
    ce = jnp.concatenate(feats, axis=0).astype(jnp.float32)
    ce = ce + bias_ref[...][:3 * NF]
    ce = jnp.maximum(ce, 0.0)
    ce_ref[0, :3 * NF, :] = ce.astype(jnp.bfloat16)


def _char_call(qct, ctbT, AT, bias):
    return pl.pallas_call(
        _char_body,
        grid=(T,),
        in_specs=[
            pl.BlockSpec((1, C, B), lambda i: (i, 0, 0)),
            pl.BlockSpec((C * CD, CV * C), lambda i: (0, 0)),
            pl.BlockSpec((_AROWS, C * CD), lambda i: (0, 0)),
            pl.BlockSpec((_CE, 1), lambda i: (0, 0)),
        ],
        out_specs=pl.BlockSpec((1, _CE, B), lambda i: (i, 0, 0)),
        out_shape=jax.ShapeDtypeStruct((T, _CE, B), jnp.bfloat16),
    )(qct, ctbT, AT, bias)


def _merge_body(wemb_ref, ce_ref, out_ref):
    wt = jnp.swapaxes(wemb_ref[...], 0, 1)
    cb = ce_ref[0, :3 * NF, :].astype(jnp.float32)
    out_ref[0] = jnp.concatenate([wt, cb], axis=0)


def _merge_call(wemb, ce):
    return pl.pallas_call(
        _merge_body,
        grid=(T,),
        in_specs=[
            pl.BlockSpec((B, D), lambda i: (i, 0)),
            pl.BlockSpec((1, _CE, B), lambda i: (i, 0, 0)),
        ],
        out_specs=pl.BlockSpec((1, D + 3 * NF, B), lambda i: (i, 0, 0)),
        out_shape=jax.ShapeDtypeStruct((T, D + 3 * NF, B), jnp.float32),
    )(wemb, ce)


def kernel(word_table, char_table, W3, b3, W4, b4, W5, b5,
           q1, q2, q1_len, q2_len, q1_char, q2_char):
    AT = _build_AT(W3, W4, W5).astype(jnp.bfloat16)
    ctbT = jnp.kron(char_table.T,
                    jnp.eye(C, dtype=jnp.float32)).astype(jnp.bfloat16)
    bias = jnp.pad(jnp.concatenate([b3, b4, b5]), (0, _CE - 3 * NF))[:, None]
    qct1 = jnp.transpose(q1_char, (1, 2, 0))
    qct2 = jnp.transpose(q2_char, (1, 2, 0))
    ce1 = _char_call(qct1, ctbT, AT, bias)
    ce2 = _char_call(qct2, ctbT, AT, bias)

    idx1 = q1.T.reshape(-1).astype(jnp.int32)
    idx2 = q2.T.reshape(-1).astype(jnp.int32)
    wemb1, wemb2 = _sc_gather_call(word_table, idx1, idx2)
    out1 = _merge_call(wemb1, ce1)
    out2 = _merge_call(wemb2, ce2)
    return (jnp.transpose(out1, (2, 0, 1)), jnp.transpose(out2, (2, 0, 1)))

# --- scband reference (transcript-rebuilt; emitter-appended) ---
"""Pipeline reference for scband-diin-1374389535052 (READ-ONLY COPY).

The authoritative reference and input builder live on the scoring server;
editing this copy changes nothing except your own understanding.
"""

import jax, jax.numpy as jnp
import numpy as np

B, T, C = 1024, 50, 16
V, D = 1000000, 64
CV, CD = 128, 32
NF = 50

def _conv1d(x, w, b):
    # x: [N, C_in, L], w: [C_out, C_in, K]
    y = jax.lax.conv_general_dilated(x, w, window_strides=(1,), padding='VALID', dimension_numbers=('NCH', 'OIH', 'NCH'))
    return y + b[None, :, None]

def _char_emb(q_char, char_table, convs):
    Bq, Tq, Cq = q_char.shape
    qc = q_char.reshape(-1, Cq)
    e = jnp.take(char_table, qc, axis=0)          # [B*T, C, char_dim]
    e = jnp.transpose(e, (0, 2, 1))               # [B*T, char_dim, C]
    outs = []
    for (w, b) in convs:
        h = _conv1d(e, w, b)
        h = jax.nn.relu(h)
        h = jnp.max(h, axis=2)
        outs.append(h)
    ce = jnp.concatenate(outs, axis=-1)           # [B*T, 150]
    return ce.reshape(Bq, Tq, -1)

def setup_inputs(seed: int = 0):
    key = jax.random.key(seed)
    ks = jax.random.split(key, 12)
    word_table = jax.random.normal(ks[0], (V, D), dtype=jnp.float32) * 0.01
    word_table = word_table.at[0].set(0.0)  # padding_idx=0 row zeroed
    char_table = jax.random.normal(ks[1], (CV, CD), dtype=jnp.float32) * 0.02
    W3 = jax.random.normal(ks[2], (NF, CD, 3), dtype=jnp.float32) * 0.05
    b3 = jnp.zeros((NF,), dtype=jnp.float32)
    W4 = jax.random.normal(ks[3], (NF, CD, 4), dtype=jnp.float32) * 0.05
    b4 = jnp.zeros((NF,), dtype=jnp.float32)
    W5 = jax.random.normal(ks[4], (NF, CD, 5), dtype=jnp.float32) * 0.05
    b5 = jnp.zeros((NF,), dtype=jnp.float32)
    q1 = jax.random.randint(ks[5], (B, T), 0, V)
    q2 = jax.random.randint(ks[6], (B, T), 0, V)
    q1_len = jax.random.randint(ks[7], (B,), 1, T)
    q2_len = jax.random.randint(ks[8], (B,), 1, T)
    q1_char = jax.random.randint(ks[9], (B, T, C), 0, CV)
    q2_char = jax.random.randint(ks[10], (B, T, C), 0, CV)
    return {"word_table": word_table, "char_table": char_table, "W3": W3, "b3": b3, "W4": W4, "b4": b4, "W5": W5, "b5": b5, "q1": q1, "q2": q2, "q1_len": q1_len, "q2_len": q2_len, "q1_char": q1_char, "q2_char": q2_char}

def reference(word_table, char_table, W3, b3, W4, b4, W5, b5, q1, q2, q1_len, q2_len, q1_char, q2_char):
    # eval mode: dropout is identity
    q1_emb = jnp.take(word_table, q1, axis=0)
    q2_emb = jnp.take(word_table, q2, axis=0)
    convs = [(W3, b3), (W4, b4), (W5, b5)]
    q1_c = _char_emb(q1_char, char_table, convs)
    q2_c = _char_emb(q2_char, char_table, convs)
    q1_out = jnp.concatenate([q1_emb, q1_c], axis=-1)
    q2_out = jnp.concatenate([q2_emb, q2_c], axis=-1)
    return (q1_out, q2_out)

if __name__ == "__main__":
    import jax
    _d = setup_inputs()
    print(jax.jit(kernel)(*tuple(_d.values())))

</pallas_src>

<mosaic_0001>
#map = affine_map<(d0, d1) -> (0, 0)>
#map1 = affine_map<(d0, d1) -> (0)>
module attributes {stable_mosaic.version = 14 : i64} {
  func.func @k(%arg0: i32, %arg1: i32, %arg2: memref<1000000x64xf32, #tpu.memory_space<hbm>>, %arg3: memref<51200xi32, #tpu.memory_space<hbm>>, %arg4: memref<51200xi32, #tpu.memory_space<hbm>>, %arg5: memref<51200x64xf32, #tpu.memory_space<hbm>>, %arg6: memref<51200x64xf32, #tpu.memory_space<hbm>>, %arg7: memref<1600xi32, #tpu.memory_space<vmem>>, %arg8: memref<1600x64xf32, #tpu.memory_space<vmem>>, %arg9: memref<!tpu.dma_semaphore, #tpu.memory_space<semaphore_mem>>) attributes {dimension_semantics = [#tpu.dimension_semantics<core_parallel>, #tpu.dimension_semantics<subcore_parallel>], iteration_bounds = array<i64: 2, 16>, scalar_prefetch = 0 : i64, scratch_operands = 3 : i64, tpu.core_type = #tpu.core_type<sc_vector_subcore>, window_params = [{transform_indices = #map}, {transform_indices = #map1}, {transform_indices = #map1}, {transform_indices = #map}, {transform_indices = #map}]} {
    %mul3A = arith.constant 2 : i32
    %mul3A_0 = arith.muli %arg1, %mul3A : i32
    %add3A = arith.addi %mul3A_0, %arg0 : i32
    %mul3A_1 = arith.constant 1600 : i32
    %mul3A_2 = arith.muli %add3A, %mul3A_1 : i32
    "tpu.region"() ({
      %run_scoped3A = tpu.sem_alloc : memref<!tpu.dma_semaphore, #tpu.memory_space<semaphore_mem>>
      %dma_start3A_13 = tpu.memref_slice %arg3[%mul3A_2] : memref<51200xi32, #tpu.memory_space<hbm>> -> memref<1600xi32, #tpu.memory_space<hbm>>
      %dma_start3A_14 = tpu.memref_slice %arg3[%mul3A_2] : memref<51200xi32, #tpu.memory_space<hbm>> -> memref<1600xi32, #tpu.memory_space<hbm>>
      tpu.enqueue_dma source(%dma_start3A_14 : memref<1600xi32, #tpu.memory_space<hbm>>) target(%arg7 : memref<1600xi32, #tpu.memory_space<vmem>>) target_semaphore(%run_scoped3A : memref<!tpu.dma_semaphore, #tpu.memory_space<semaphore_mem>>)
      %dma_wait3A_15 = tpu.memref_slice %arg3[%mul3A_2] : memref<51200xi32, #tpu.memory_space<hbm>> -> memref<1600xi32, #tpu.memory_space<hbm>>
      %dma_wait3A_16 = tpu.memref_slice %arg3[%mul3A_2] : memref<51200xi32, #tpu.memory_space<hbm>> -> memref<1600xi32, #tpu.memory_space<hbm>>
      tpu.wait_dma2 semaphore(%run_scoped3A : memref<!tpu.dma_semaphore, #tpu.memory_space<semaphore_mem>>) src(%dma_wait3A_16 : memref<1600xi32, #tpu.memory_space<hbm>>) dst(%arg7 : memref<1600xi32, #tpu.memory_space<vmem>>)
      tpu.yield
    }) : () -> ()
    %dma_start3A = arith.constant 0 : i32
    %dma_start3A_3 = arith.constant 0 : i32
    %dma_start3A_4 = tpu.memref_slice %arg2[%dma_start3A, %dma_start3A_3] : memref<1000000x64xf32, #tpu.memory_space<hbm>> -> memref<1000000x64xf32, #tpu.memory_space<hbm>>
    tpu.enqueue_indirect_dma source(%dma_start3A_4 : memref<1000000x64xf32, #tpu.memory_space<hbm>>) target(%arg8 : memref<1600x64xf32, #tpu.memory_space<vmem>>) offsets(%arg7 : memref<1600xi32, #tpu.memory_space<vmem>>) semaphore(%arg9 : memref<!tpu.dma_semaphore, #tpu.memory_space<semaphore_mem>>)
    %dma_wait3A = arith.constant 0 : i32
    %dma_wait3A_5 = arith.constant 0 : i32
    %dma_wait3A_6 = tpu.memref_slice %arg2[%dma_wait3A, %dma_wait3A_5] : memref<1000000x64xf32, #tpu.memory_space<hbm>> -> memref<1000000x64xf32, #tpu.memory_space<hbm>>
    tpu.wait_indirect_dma semaphore(%arg9 : memref<!tpu.dma_semaphore, #tpu.memory_space<semaphore_mem>>) src(%dma_wait3A_6 : memref<1000000x64xf32, #tpu.memory_space<hbm>>) dst(%arg8 : memref<1600x64xf32, #tpu.memory_space<vmem>>)
    "tpu.region"() ({
      %run_scoped3A = tpu.sem_alloc : memref<!tpu.dma_semaphore, #tpu.memory_space<semaphore_mem>>
      %dma_start3A_13 = arith.constant 0 : i32
      %dma_start3A_14 = tpu.memref_slice %arg5[%mul3A_2, %dma_start3A_13] : memref<51200x64xf32, #tpu.memory_space<hbm>> -> memref<1600x64xf32, #tpu.memory_space<hbm>>
      %dma_start3A_15 = arith.constant 0 : i32
      %dma_start3A_16 = tpu.memref_slice %arg5[%mul3A_2, %dma_start3A_15] : memref<51200x64xf32, #tpu.memory_space<hbm>> -> memref<1600x64xf32, #tpu.memory_space<hbm>>
      tpu.enqueue_dma source(%arg8 : memref<1600x64xf32, #tpu.memory_space<vmem>>) target(%dma_start3A_16 : memref<1600x64xf32, #tpu.memory_space<hbm>>) target_semaphore(%run_scoped3A : memref<!tpu.dma_semaphore, #tpu.memory_space<semaphore_mem>>)
      %dma_wait3A_17 = arith.constant 0 : i32
      %dma_wait3A_18 = tpu.memref_slice %arg5[%mul3A_2, %dma_wait3A_17] : memref<51200x64xf32, #tpu.memory_space<hbm>> -> memref<1600x64xf32, #tpu.memory_space<hbm>>
      %dma_wait3A_19 = arith.constant 0 : i32
      %dma_wait3A_20 = tpu.memref_slice %arg5[%mul3A_2, %dma_wait3A_19] : memref<51200x64xf32, #tpu.memory_space<hbm>> -> memref<1600x64xf32, #tpu.memory_space<hbm>>
      tpu.wait_dma2 semaphore(%run_scoped3A : memref<!tpu.dma_semaphore, #tpu.memory_space<semaphore_mem>>) src(%arg8 : memref<1600x64xf32, #tpu.memory_space<vmem>>) dst(%dma_wait3A_20 : memref<1600x64xf32, #tpu.memory_space<hbm>>)
      tpu.yield
    }) : () -> ()
    "tpu.region"() ({
      %run_scoped3A = tpu.sem_alloc : memref<!tpu.dma_semaphore, #tpu.memory_space<semaphore_mem>>
      %dma_start3A_13 = tpu.memref_slice %arg4[%mul3A_2] : memref<51200xi32, #tpu.memory_space<hbm>> -> memref<1600xi32, #tpu.memory_space<hbm>>
      %dma_start3A_14 = tpu.memref_slice %arg4[%mul3A_2] : memref<51200xi32, #tpu.memory_space<hbm>> -> memref<1600xi32, #tpu.memory_space<hbm>>
      tpu.enqueue_dma source(%dma_start3A_14 : memref<1600xi32, #tpu.memory_space<hbm>>) target(%arg7 : memref<1600xi32, #tpu.memory_space<vmem>>) target_semaphore(%run_scoped3A : memref<!tpu.dma_semaphore, #tpu.memory_space<semaphore_mem>>)
      %dma_wait3A_15 = tpu.memref_slice %arg4[%mul3A_2] : memref<51200xi32, #tpu.memory_space<hbm>> -> memref<1600xi32, #tpu.memory_space<hbm>>
      %dma_wait3A_16 = tpu.memref_slice %arg4[%mul3A_2] : memref<51200xi32, #tpu.memory_space<hbm>> -> memref<1600xi32, #tpu.memory_space<hbm>>
      tpu.wait_dma2 semaphore(%run_scoped3A : memref<!tpu.dma_semaphore, #tpu.memory_space<semaphore_mem>>) src(%dma_wait3A_16 : memref<1600xi32, #tpu.memory_space<hbm>>) dst(%arg7 : memref<1600xi32, #tpu.memory_space<vmem>>)
      tpu.yield
    }) : () -> ()
    %dma_start3A_7 = arith.constant 0 : i32
    %dma_start3A_8 = arith.constant 0 : i32
    %dma_start3A_9 = tpu.memref_slice %arg2[%dma_start3A_7, %dma_start3A_8] : memref<1000000x64xf32, #tpu.memory_space<hbm>> -> memref<1000000x64xf32, #tpu.memory_space<hbm>>
    tpu.enqueue_indirect_dma source(%dma_start3A_9 : memref<1000000x64xf32, #tpu.memory_space<hbm>>) target(%arg8 : memref<1600x64xf32, #tpu.memory_space<vmem>>) offsets(%arg7 : memref<1600xi32, #tpu.memory_space<vmem>>) semaphore(%arg9 : memref<!tpu.dma_semaphore, #tpu.memory_space<semaphore_mem>>)
    %dma_wait3A_10 = arith.constant 0 : i32
    %dma_wait3A_11 = arith.constant 0 : i32
    %dma_wait3A_12 = tpu.memref_slice %arg2[%dma_wait3A_10, %dma_wait3A_11] : memref<1000000x64xf32, #tpu.memory_space<hbm>> -> memref<1000000x64xf32, #tpu.memory_space<hbm>>
    tpu.wait_indirect_dma semaphore(%arg9 : memref<!tpu.dma_semaphore, #tpu.memory_space<semaphore_mem>>) src(%dma_wait3A_12 : memref<1000000x64xf32, #tpu.memory_space<hbm>>) dst(%arg8 : memref<1600x64xf32, #tpu.memory_space<vmem>>)
    "tpu.region"() ({
      %run_scoped3A = tpu.sem_alloc : memref<!tpu.dma_semaphore, #tpu.memory_space<semaphore_mem>>
      %dma_start3A_13 = arith.constant 0 : i32
      %dma_start3A_14 = tpu.memref_slice %arg6[%mul3A_2, %dma_start3A_13] : memref<51200x64xf32, #tpu.memory_space<hbm>> -> memref<1600x64xf32, #tpu.memory_space<hbm>>
      %dma_start3A_15 = arith.constant 0 : i32
      %dma_start3A_16 = tpu.memref_slice %arg6[%mul3A_2, %dma_start3A_15] : memref<51200x64xf32, #tpu.memory_space<hbm>> -> memref<1600x64xf32, #tpu.memory_space<hbm>>
      tpu.enqueue_dma source(%arg8 : memref<1600x64xf32, #tpu.memory_space<vmem>>) target(%dma_start3A_16 : memref<1600x64xf32, #tpu.memory_space<hbm>>) target_semaphore(%run_scoped3A : memref<!tpu.dma_semaphore, #tpu.memory_space<semaphore_mem>>)
      %dma_wait3A_17 = arith.constant 0 : i32
      %dma_wait3A_18 = tpu.memref_slice %arg6[%mul3A_2, %dma_wait3A_17] : memref<51200x64xf32, #tpu.memory_space<hbm>> -> memref<1600x64xf32, #tpu.memory_space<hbm>>
      %dma_wait3A_19 = arith.constant 0 : i32
      %dma_wait3A_20 = tpu.memref_slice %arg6[%mul3A_2, %dma_wait3A_19] : memref<51200x64xf32, #tpu.memory_space<hbm>> -> memref<1600x64xf32, #tpu.memory_space<hbm>>
      tpu.wait_dma2 semaphore(%run_scoped3A : memref<!tpu.dma_semaphore, #tpu.memory_space<semaphore_mem>>) src(%arg8 : memref<1600x64xf32, #tpu.memory_space<vmem>>) dst(%dma_wait3A_20 : memref<1600x64xf32, #tpu.memory_space<hbm>>)
      tpu.yield
    }) : () -> ()
    return
  }
}

module attributes {stable_mosaic.version = 14 : i64} {
  func.func @_char_body(%arg0: i32, %arg1: memref<1x16x1024xi32, #tpu.memory_space<vmem>>, %arg2: memref<512x2048xbf16, #tpu.memory_space<vmem>>, %arg3: memref<2496x512xbf16, #tpu.memory_space<vmem>>, %arg4: memref<160x1xf32, #tpu.memory_space<vmem>>, %arg5: memref<1x160x1024xbf16, #tpu.memory_space<vmem>>) attributes {dimension_semantics = [#tpu.dimension_semantics<arbitrary>], iteration_bounds = array<i64: 50>, scalar_prefetch = 0 : i64, scratch_operands = 0 : i64, tpu.core_type = #tpu.core_type<tc>, window_params = [{transform_indices = @transform_0, window_bounds = array<i64: 1, 16, 1024>}, {pipeline_mode = #tpu.pipeline_mode<synchronous>, transform_indices = @transform_1, window_bounds = array<i64: 512, 2048>}, {pipeline_mode = #tpu.pipeline_mode<synchronous>, transform_indices = @transform_2, window_bounds = array<i64: 2496, 512>}, {pipeline_mode = #tpu.pipeline_mode<synchronous>, transform_indices = @transform_3, window_bounds = array<i64: 160, 1>}, {transform_indices = @transform_4, window_bounds = array<i64: 1, 160, 1024>}]} {
    %get3A = arith.constant 0 : index
    %get3A_0 = arith.constant 0 : index
    %get3A_1 = arith.constant 0 : index
    %get3A_2 = vector.load %arg1[%get3A, %get3A_0, %get3A_1] : memref<1x16x1024xi32, #tpu.memory_space<vmem>>, vector<1x16x1024xi32>
    %get3A_3 = vector.shape_cast %get3A_2 : vector<1x16x1024xi32> to vector<16x1024xi32>
    %iota3A = tpu.iota {dimensions = array<i32: 0>} : vector<128x16x1024xi32>
    %broadcast_in_dim3A = vector.shape_cast %get3A_3 : vector<16x1024xi32> to vector<1x16x1024xi32>
    %eq3A = vector.broadcast %broadcast_in_dim3A : vector<1x16x1024xi32> to vector<128x16x1024xi32>
    %eq3A_4 = arith.cmpi eq, %iota3A, %eq3A : vector<128x16x1024xi32>
    %convert_element_type3A = arith.extui %eq3A_4 : vector<128x16x1024xi1> to vector<128x16x1024xi32>
    %convert_element_type3A_5 = arith.sitofp %convert_element_type3A : vector<128x16x1024xi32> to vector<128x16x1024xf32>
    %convert_element_type3A_6 = arith.truncf %convert_element_type3A_5 : vector<128x16x1024xf32> to vector<128x16x1024xbf16>
    %reshape3A = vector.shape_cast %convert_element_type3A_6 : vector<128x16x1024xbf16> to vector<2048x1024xbf16>
    %get3A_7 = arith.constant 0 : index
    %get3A_8 = arith.constant 0 : index
    %get3A_9 = vector.load %arg2[%get3A_7, %get3A_8] : memref<512x2048xbf16, #tpu.memory_space<vmem>>, vector<512x2048xbf16>
    %dot_general3A = arith.constant dense<0.000000e+00> : vector<512x1024xf32>
    %dot_general3A_10 = tpu.matmul %get3A_9, %reshape3A, %dot_general3A {dimension_numbers = #tpu.dot_dimension_numbers<[1], [0], [0], [1], [0, 0, 1, 1], [], []>, transpose_lhs_hint = false} : vector<512x2048xbf16>, vector<2048x1024xbf16>, vector<512x1024xf32> -> vector<512x1024xf32>
    %get3A_11 = arith.constant 0 : index
    %get3A_12 = arith.constant 0 : index
    %get3A_13 = vector.load %arg3[%get3A_11, %get3A_12] : memref<2496x512xbf16, #tpu.memory_space<vmem>>, vector<2496x512xbf16>
    %convert_element_type3A_14 = arith.truncf %dot_general3A_10 : vector<512x1024xf32> to vector<512x1024xbf16>
    %dot_general3A_15 = arith.constant dense<0.000000e+00> : vector<2496x1024xf32>
    %dot_general3A_16 = tpu.matmul %get3A_13, %convert_element_type3A_14, %dot_general3A_15 {dimension_numbers = #tpu.dot_dimension_numbers<[1], [0], [0], [1], [0, 0, 1, 1], [], []>, transpose_lhs_hint = false} : vector<2496x512xbf16>, vector<512x1024xbf16>, vector<2496x1024xf32> -> vector<2496x1024xf32>
    %convert_element_type3A_17 = arith.truncf %dot_general3A_16 : vector<2496x1024xf32> to vector<2496x1024xbf16>
    %slice3A = vector.extract_strided_slice %convert_element_type3A_17 {offsets = [0, 0], sizes = [64, 1024], strides = [1, 1]} : vector<2496x1024xbf16> to vector<64x1024xbf16>
    %slice3A_18 = vector.extract_strided_slice %convert_element_type3A_17 {offsets = [64, 0], sizes = [64, 1024], strides = [1, 1]} : vector<2496x1024xbf16> to vector<64x1024xbf16>
    %max3A = arith.maximumf %slice3A, %slice3A_18 : vector<64x1024xbf16>
    %slice3A_19 = vector.extract_strided_slice %convert_element_type3A_17 {offsets = [128, 0], sizes = [64, 1024], strides = [1, 1]} : vector<2496x1024xbf16> to vector<64x1024xbf16>
    %max3A_20 = arith.maximumf %max3A, %slice3A_19 : vector<64x1024xbf16>
    %slice3A_21 = vector.extract_strided_slice %convert_element_type3A_17 {offsets = [192, 0], sizes = [64, 1024], strides = [1, 1]} : vector<2496x1024xbf16> to vector<64x1024xbf16>
    %max3A_22 = arith.maximumf %max3A_20, %slice3A_21 : vector<64x1024xbf16>
    %slice3A_23 = vector.extract_strided_slice %convert_element_type3A_17 {offsets = [256, 0], sizes = [64, 1024], strides = [1, 1]} : vector<2496x1024xbf16> to vector<64x1024xbf16>
    %max3A_24 = arith.maximumf %max3A_22, %slice3A_23 : vector<64x1024xbf16>
    %slice3A_25 = vector.extract_strided_slice %convert_element_type3A_17 {offsets = [320, 0], sizes = [64, 1024], strides = [1, 1]} : vector<2496x1024xbf16> to vector<64x1024xbf16>
    %max3A_26 = arith.maximumf %max3A_24, %slice3A_25 : vector<64x1024xbf16>
    %slice3A_27 = vector.extract_strided_slice %convert_element_type3A_17 {offsets = [384, 0], sizes = [64, 1024], strides = [1, 1]} : vector<2496x1024xbf16> to vector<64x1024xbf16>
    %max3A_28 = arith.maximumf %max3A_26, %slice3A_27 : vector<64x1024xbf16>
    %slice3A_29 = vector.extract_strided_slice %convert_element_type3A_17 {offsets = [448, 0], sizes = [64, 1024], strides = [1, 1]} : vector<2496x1024xbf16> to vector<64x1024xbf16>
    %max3A_30 = arith.maximumf %max3A_28, %slice3A_29 : vector<64x1024xbf16>
    %slice3A_31 = vector.extract_strided_slice %convert_element_type3A_17 {offsets = [512, 0], sizes = [64, 1024], strides = [1, 1]} : vector<2496x1024xbf16> to vector<64x1024xbf16>
    %max3A_32 = arith.maximumf %max3A_30, %slice3A_31 : vector<64x1024xbf16>
    %slice3A_33 = vector.extract_strided_slice %convert_element_type3A_17 {offsets = [576, 0], sizes = [64, 1024], strides = [1, 1]} : vector<2496x1024xbf16> to vector<64x1024xbf16>
    %max3A_34 = arith.maximumf %max3A_32, %slice3A_33 : vector<64x1024xbf16>
    %slice3A_35 = vector.extract_strided_slice %convert_element_type3A_17 {offsets = [640, 0], sizes = [64, 1024], strides = [1, 1]} : vector<2496x1024xbf16> to vector<64x1024xbf16>
    %max3A_36 = arith.maximumf %max3A_34, %slice3A_35 : vector<64x1024xbf16>
    %slice3A_37 = vector.extract_strided_slice %convert_element_type3A_17 {offsets = [704, 0], sizes = [64, 1024], strides = [1, 1]} : vector<2496x1024xbf16> to vector<64x1024xbf16>
    %max3A_38 = arith.maximumf %max3A_36, %slice3A_37 : vector<64x1024xbf16>
    %slice3A_39 = vector.extract_strided_slice %convert_element_type3A_17 {offsets = [768, 0], sizes = [64, 1024], strides = [1, 1]} : vector<2496x1024xbf16> to vector<64x1024xbf16>
    %max3A_40 = arith.maximumf %max3A_38, %slice3A_39 : vector<64x1024xbf16>
    %slice3A_41 = vector.extract_strided_slice %convert_element_type3A_17 {offsets = [832, 0], sizes = [64, 1024], strides = [1, 1]} : vector<2496x1024xbf16> to vector<64x1024xbf16>
    %max3A_42 = arith.maximumf %max3A_40, %slice3A_41 : vector<64x1024xbf16>
    %slice3A_43 = vector.extract_strided_slice %max3A_42 {offsets = [0, 0], sizes = [50, 1024], strides = [1, 1]} : vector<64x1024xbf16> to vector<50x1024xbf16>
    %slice3A_44 = vector.extract_strided_slice %convert_element_type3A_17 {offsets = [896, 0], sizes = [64, 1024], strides = [1, 1]} : vector<2496x1024xbf16> to vector<64x1024xbf16>
    %slice3A_45 = vector.extract_strided_slice %convert_element_type3A_17 {offsets = [960, 0], sizes = [64, 1024], strides = [1, 1]} : vector<2496x1024xbf16> to vector<64x1024xbf16>
    %max3A_46 = arith.maximumf %slice3A_44, %slice3A_45 : vector<64x1024xbf16>
    %slice3A_47 = vector.extract_strided_slice %convert_element_type3A_17 {offsets = [1024, 0], sizes = [64, 1024], strides = [1, 1]} : vector<2496x1024xbf16> to vector<64x1024xbf16>
    %max3A_48 = arith.maximumf %max3A_46, %slice3A_47 : vector<64x1024xbf16>
    %slice3A_49 = vector.extract_strided_slice %convert_element_type3A_17 {offsets = [1088, 0], sizes = [64, 1024], strides = [1, 1]} : vector<2496x1024xbf16> to vector<64x1024xbf16>
    %max3A_50 = arith.maximumf %max3A_48, %slice3A_49 : vector<64x1024xbf16>
    %slice3A_51 = vector.extract_strided_slice %convert_element_type3A_17 {offsets = [1152, 0], sizes = [64, 1024], strides = [1, 1]} : vector<2496x1024xbf16> to vector<64x1024xbf16>
    %max3A_52 = arith.maximumf %max3A_50, %slice3A_51 : vector<64x1024xbf16>
    %slice3A_53 = vector.extract_strided_slice %convert_element_type3A_17 {offsets = [1216, 0], sizes = [64, 1024], strides = [1, 1]} : vector<2496x1024xbf16> to vector<64x1024xbf16>
    %max3A_54 = arith.maximumf %max3A_52, %slice3A_53 : vector<64x1024xbf16>
    %slice3A_55 = vector.extract_strided_slice %convert_element_type3A_17 {offsets = [1280, 0], sizes = [64, 1024], strides = [1, 1]} : vector<2496x1024xbf16> to vector<64x1024xbf16>
    %max3A_56 = arith.maximumf %max3A_54, %slice3A_55 : vector<64x1024xbf16>
    %slice3A_57 = vector.extract_strided_slice %convert_element_type3A_17 {offsets = [1344, 0], sizes = [64, 1024], strides = [1, 1]} : vector<2496x1024xbf16> to vector<64x1024xbf16>
    %max3A_58 = arith.maximumf %max3A_56, %slice3A_57 : vector<64x1024xbf16>
    %slice3A_59 = vector.extract_strided_slice %convert_element_type3A_17 {offsets = [1408, 0], sizes = [64, 1024], strides = [1, 1]} : vector<2496x1024xbf16> to vector<64x1024xbf16>
    %max3A_60 = arith.maximumf %max3A_58, %slice3A_59 : vector<64x1024xbf16>
    %slice3A_61 = vector.extract_strided_slice %convert_element_type3A_17 {offsets = [1472, 0], sizes = [64, 1024], strides = [1, 1]} : vector<2496x1024xbf16> to vector<64x1024xbf16>
    %max3A_62 = arith.maximumf %max3A_60, %slice3A_61 : vector<64x1024xbf16>
    %slice3A_63 = vector.extract_strided_slice %convert_element_type3A_17 {offsets = [1536, 0], sizes = [64, 1024], strides = [1, 1]} : vector<2496x1024xbf16> to vector<64x1024xbf16>
    %max3A_64 = arith.maximumf %max3A_62, %slice3A_63 : vector<64x1024xbf16>
    %slice3A_65 = vector.extract_strided_slice %convert_element_type3A_17 {offsets = [1600, 0], sizes = [64, 1024], strides = [1, 1]} : vector<2496x1024xbf16> to vector<64x1024xbf16>
    %max3A_66 = arith.maximumf %max3A_64, %slice3A_65 : vector<64x1024xbf16>
    %slice3A_67 = vector.extract_strided_slice %convert_element_type3A_17 {offsets = [1664, 0], sizes = [64, 1024], strides = [1, 1]} : vector<2496x1024xbf16> to vector<64x1024xbf16>
    %max3A_68 = arith.maximumf %max3A_66, %slice3A_67 : vector<64x1024xbf16>
    %slice3A_69 = vector.extract_strided_slice %max3A_68 {offsets = [0, 0], sizes = [50, 1024], strides = [1, 1]} : vector<64x1024xbf16> to vector<50x1024xbf16>
    %slice3A_70 = vector.extract_strided_slice %convert_element_type3A_17 {offsets = [1728, 0], sizes = [64, 1024], strides = [1, 1]} : vector<2496x1024xbf16> to vector<64x1024xbf16>
    %slice3A_71 = vector.extract_strided_slice %convert_element_type3A_17 {offsets = [1792, 0], sizes = [64, 1024], strides = [1, 1]} : vector<2496x1024xbf16> to vector<64x1024xbf16>
    %max3A_72 = arith.maximumf %slice3A_70, %slice3A_71 : vector<64x1024xbf16>
    %slice3A_73 = vector.extract_strided_slice %convert_element_type3A_17 {offsets = [1856, 0], sizes = [64, 1024], strides = [1, 1]} : vector<2496x1024xbf16> to vector<64x1024xbf16>
    %max3A_74 = arith.maximumf %max3A_72, %slice3A_73 : vector<64x1024xbf16>
    %slice3A_75 = vector.extract_strided_slice %convert_element_type3A_17 {offsets = [1920, 0], sizes = [64, 1024], strides = [1, 1]} : vector<2496x1024xbf16> to vector<64x1024xbf16>
    %max3A_76 = arith.maximumf %max3A_74, %slice3A_75 : vector<64x1024xbf16>
    %slice3A_77 = vector.extract_strided_slice %convert_element_type3A_17 {offsets = [1984, 0], sizes = [64, 1024], strides = [1, 1]} : vector<2496x1024xbf16> to vector<64x1024xbf16>
    %max3A_78 = arith.maximumf %max3A_76, %slice3A_77 : vector<64x1024xbf16>
    %slice3A_79 = vector.extract_strided_slice %convert_element_type3A_17 {offsets = [2048, 0], sizes = [64, 1024], strides = [1, 1]} : vector<2496x1024xbf16> to vector<64x1024xbf16>
    %max3A_80 = arith.maximumf %max3A_78, %slice3A_79 : vector<64x1024xbf16>
    %slice3A_81 = vector.extract_strided_slice %convert_element_type3A_17 {offsets = [2112, 0], sizes = [64, 1024], strides = [1, 1]} : vector<2496x1024xbf16> to vector<64x1024xbf16>
    %max3A_82 = arith.maximumf %max3A_80, %slice3A_81 : vector<64x1024xbf16>
    %slice3A_83 = vector.extract_strided_slice %convert_element_type3A_17 {offsets = [2176, 0], sizes = [64, 1024], strides = [1, 1]} : vector<2496x1024xbf16> to vector<64x1024xbf16>
    %max3A_84 = arith.maximumf %max3A_82, %slice3A_83 : vector<64x1024xbf16>
    %slice3A_85 = vector.extract_strided_slice %convert_element_type3A_17 {offsets = [2240, 0], sizes = [64, 1024], strides = [1, 1]} : vector<2496x1024xbf16> to vector<64x1024xbf16>
    %max3A_86 = arith.maximumf %max3A_84, %slice3A_85 : vector<64x1024xbf16>
    %slice3A_87 = vector.extract_strided_slice %convert_element_type3A_17 {offsets = [2304, 0], sizes = [64, 1024], strides = [1, 1]} : vector<2496x1024xbf16> to vector<64x1024xbf16>
    %max3A_88 = arith.maximumf %max3A_86, %slice3A_87 : vector<64x1024xbf16>
    %slice3A_89 = vector.extract_strided_slice %convert_element_type3A_17 {offsets = [2368, 0], sizes = [64, 1024], strides = [1, 1]} : vector<2496x1024xbf16> to vector<64x1024xbf16>
    %max3A_90 = arith.maximumf %max3A_88, %slice3A_89 : vector<64x1024xbf16>
    %slice3A_91 = vector.extract_strided_slice %convert_element_type3A_17 {offsets = [2432, 0], sizes = [64, 1024], strides = [1, 1]} : vector<2496x1024xbf16> to vector<64x1024xbf16>
    %max3A_92 = arith.maximumf %max3A_90, %slice3A_91 : vector<64x1024xbf16>
    %slice3A_93 = vector.extract_strided_slice %max3A_92 {offsets = [0, 0], sizes = [50, 1024], strides = [1, 1]} : vector<64x1024xbf16> to vector<50x1024xbf16>
    %concatenate3A = tpu.concatenate %slice3A_43, %slice3A_69, %slice3A_93 in 0 : vector<50x1024xbf16>, vector<50x1024xbf16>, vector<50x1024xbf16> -> vector<150x1024xbf16>
    %convert_element_type3A_94 = arith.extf %concatenate3A : vector<150x1024xbf16> to vector<150x1024xf32>
    %get3A_95 = arith.constant 0 : index
    %get3A_96 = arith.constant 0 : index
    %get3A_97 = vector.load %arg4[%get3A_95, %get3A_96] : memref<160x1xf32, #tpu.memory_space<vmem>>, vector<160x1xf32>
    %slice3A_98 = vector.extract_strided_slice %get3A_97 {offsets = [0, 0], sizes = [150, 1], strides = [1, 1]} : vector<160x1xf32> to vector<150x1xf32>
    %add3A = vector.broadcast %slice3A_98 : vector<150x1xf32> to vector<150x1024xf32>
    %add3A_99 = arith.addf %convert_element_type3A_94, %add3A : vector<150x1024xf32>
    %max3A_100 = arith.constant 0.000000e+00 : f32
    %max3A_101 = vector.broadcast %max3A_100 : f32 to vector<150x1024xf32>
    %max3A_102 = arith.maximumf %add3A_99, %max3A_101 : vector<150x1024xf32>
    %convert_element_type3A_103 = arith.truncf %max3A_102 : vector<150x1024xf32> to vector<150x1024xbf16>
    %swap3A = arith.constant 0 : index
    %swap3A_104 = arith.constant 0 : index
    %swap3A_105 = arith.constant 0 : index
    %swap3A_106 = vector.load %arg5[%swap3A, %swap3A_104, %swap3A_105] : memref<1x160x1024xbf16, #tpu.memory_space<vmem>>, vector<1x150x1024xbf16>
    %swap3A_107 = vector.shape_cast %swap3A_106 : vector<1x150x1024xbf16> to vector<150x1024xbf16>
    %swap3A_108 = vector.shape_cast %convert_element_type3A_103 : vector<150x1024xbf16> to vector<1x150x1024xbf16>
    tpu.vector_store %arg5[%swap3A, %swap3A_104, %swap3A_105], %swap3A_108 {strides = array<i32>} : memref<1x160x1024xbf16, #tpu.memory_space<vmem>>, vector<1x150x1024xbf16>,
    return
  }
  func.func @transform_0(%arg0: i32) -> (i32, i32, i32) {
    %c0_i32 = arith.constant 0 : i32
    %c0_i32_0 = arith.constant 0 : i32
    %c0_i32_1 = arith.constant 0 : i32
    return %arg0, %c0_i32, %c0_i32_0 : i32, i32, i32
  }
  func.func @transform_1(%arg0: i32) -> (i32, i32) {
    %c0_i32 = arith.constant 0 : i32
    %c0_i32_0 = arith.constant 0 : i32
    %c0_i32_1 = arith.constant 0 : i32
    return %c0_i32, %c0_i32_0 : i32, i32
  }
  func.func @transform_2(%arg0: i32) -> (i32, i32) {
    %c0_i32 = arith.constant 0 : i32
    %c0_i32_0 = arith.constant 0 : i32
    %c0_i32_1 = arith.constant 0 : i32
    return %c0_i32, %c0_i32_0 : i32, i32
  }
  func.func @transform_3(%arg0: i32) -> (i32, i32) {
    %c0_i32 = arith.constant 0 : i32
    %c0_i32_0 = arith.constant 0 : i32
    %c0_i32_1 = arith.constant 0 : i32
    return %c0_i32, %c0_i32_0 : i32, i32
  }
  func.func @transform_4(%arg0: i32) -> (i32, i32, i32) {
    %c0_i32 = arith.constant 0 : i32
    %c0_i32_0 = arith.constant 0 : i32
    %c0_i32_1 = arith.constant 0 : i32
    return %arg0, %c0_i32, %c0_i32_0 : i32, i32, i32
  }
}

module attributes {stable_mosaic.version = 14 : i64} {
  func.func @_merge_body(%arg0: i32, %arg1: memref<1024x64xf32, #tpu.memory_space<vmem>>, %arg2: memref<1x160x1024xbf16, #tpu.memory_space<vmem>>, %arg3: memref<1x214x1024xf32, #tpu.memory_space<vmem>>) attributes {dimension_semantics = [#tpu.dimension_semantics<arbitrary>], iteration_bounds = array<i64: 50>, scalar_prefetch = 0 : i64, scratch_operands = 0 : i64, tpu.core_type = #tpu.core_type<tc>, window_params = [{transform_indices = @transform_0, window_bounds = array<i64: 1024, 64>}, {transform_indices = @transform_1, window_bounds = array<i64: 1, 160, 1024>}, {transform_indices = @transform_2, window_bounds = array<i64: 1, 214, 1024>}]} {
    %get3A = arith.constant 0 : index
    %get3A_0 = arith.constant 0 : index
    %get3A_1 = vector.load %arg1[%get3A, %get3A_0] : memref<1024x64xf32, #tpu.memory_space<vmem>>, vector<1024x64xf32>
    %transpose3A = tpu.transpose %get3A_1, [1, 0] : vector<1024x64xf32> -> vector<64x1024xf32>
    %get3A_2 = arith.constant 0 : index
    %get3A_3 = arith.constant 0 : index
    %get3A_4 = arith.constant 0 : index
    %get3A_5 = vector.load %arg2[%get3A_2, %get3A_3, %get3A_4] : memref<1x160x1024xbf16, #tpu.memory_space<vmem>>, vector<1x150x1024xbf16>
    %get3A_6 = vector.shape_cast %get3A_5 : vector<1x150x1024xbf16> to vector<150x1024xbf16>
    %convert_element_type3A = arith.extf %get3A_6 : vector<150x1024xbf16> to vector<150x1024xf32>
    %concatenate3A = tpu.concatenate %transpose3A, %convert_element_type3A in 0 : vector<64x1024xf32>, vector<150x1024xf32> -> vector<214x1024xf32>
    %swap3A = arith.constant 0 : index
    %swap3A_7 = arith.constant 0 : index
    %swap3A_8 = arith.constant 0 : index
    %swap3A_9 = vector.load %arg3[%swap3A, %swap3A_7, %swap3A_8] : memref<1x214x1024xf32, #tpu.memory_space<vmem>>, vector<1x214x1024xf32>
    %swap3A_10 = vector.shape_cast %swap3A_9 : vector<1x214x1024xf32> to vector<214x1024xf32>
    %swap3A_11 = vector.shape_cast %concatenate3A : vector<214x1024xf32> to vector<1x214x1024xf32>
    tpu.vector_store %arg3[%swap3A, %swap3A_7, %swap3A_8], %swap3A_11 {strides = array<i32>} : memref<1x214x1024xf32, #tpu.memory_space<vmem>>, vector<1x214x1024xf32>,
    return
  }
  func.func @transform_0(%arg0: i32) -> (i32, i32) {
    %c0_i32 = arith.constant 0 : i32
    %c0_i32_0 = arith.constant 0 : i32
    return %arg0, %c0_i32 : i32, i32
  }
  func.func @transform_1(%arg0: i32) -> (i32, i32, i32) {
    %c0_i32 = arith.constant 0 : i32
    %c0_i32_0 = arith.constant 0 : i32
    %c0_i32_1 = arith.constant 0 : i32
    return %arg0, %c0_i32, %c0_i32_0 : i32, i32, i32
  }
  func.func @transform_2(%arg0: i32) -> (i32, i32, i32) {
    %c0_i32 = arith.constant 0 : i32
    %c0_i32_0 = arith.constant 0 : i32
    %c0_i32_1 = arith.constant 0 : i32
    return %arg0, %c0_i32, %c0_i32_0 : i32, i32, i32
  }
}

</mosaic_0001>

<sc_bundles>
// kernel: kernel.7.cloned.1.call-start
scs
__scs_entry_jumppad:
0x0: {  	(pc) =	sbr.rel $0x88, $3  }
0x1: {  	(tag) =	ssettag $0x0;
	lr =	simm.s32 $0x1  }
0x2: {  	[smem:$0x3F95] =	sst lr;
	_ =	strace $0xD0000000  }
0x3: {  	_ = 	snop  }
0x4: {  	_ = 	snop  }
0x5: {  	_ = 	snop  }
0x6: {  	_ = 	snop  }
0x7: {  	_ = 	snop  }
__scs_overlays_trampoline_lowered:
0x8: {  	[smem:$0x3FA4] =	sst s0  }
0x9: {  	[smem:$0x3FA5] =	sst s1  }
0xa: {  	[smem:$0x3FA6] =	sst s2  }
0xb: {  	[smem:$0x3FA7] =	sst s3  }
0xc: {  	[smem:$0x3FA8] =	sst s4  }
0xd: {  	[smem:$0x3FA9] =	sst s5  }
0xe: {  	[smem:$0x3FAA] =	sst s6  }
0xf: {  	[smem:$0x3FAB] =	sst s7  }
0x10: {  	[smem:$0x3FAC] =	sst s8  }
0x11: {  	[smem:$0x3FAD] =	sst s9;
	s0 =	simm.s32 @!p0 $0x0  }
0x12: {  	s1 =	sld [smem:$0x3F93];
	s0 =	simm.s32 @p0 $0x1  }
0x13: {  	[smem:$0x3FAE] =	sst s0;
	s0 =	simm.s32 @!p1 $0x0  }
0x14: {  	s2 =	sld [smem:$0x3F92];
	s0 =	simm.s32 @p1 $0x1  }
0x15: {  	[smem:$0x3FAF] =	sst s0;
	s0 =	simm.s32 @!p2 $0x0  }
0x16: {  	s3 =	sld [smem:$0x3FDB];
	s0 =	simm.s32 @p2 $0x1  }
0x17: {  	s4 =	simm.s32 $0x1BF5;
	[smem:$0x3FB1] =	sst s0  }
0x18: {  	s0 =	sld [smem:$0x3F94];
	_ =	swait.ge [sflag:s4], $0x0  }
0x19: {  	s7 =	sld [smem:$0x3F95]  }
0x1a: {  	s8 =	sadd.s32 $0xFFFFE003, lr  }
0x1b: {  	s9 =	sadd.s32 $0xFFFFFEF7, lr;
	s5 =	simm.s32 $0xFFFFFFFF;
	p2 =	slt.u32 s8, $0xFFFFF086  }
0x1c: {  	p1 =	slt.u32 s9, $0xF7A;
	s5 =	simm.s32 @!p2 $0x0  }
0x1d: {  	s5 =	simm.s32 @p1 $0x1;
	p0 =	seq.s32 s7, s2  }
0x1e: {  	s7 =	smul.u32 @!p0 $0xF7A, s2;
	p2 =	seq.s32 @!p0 s5, $0x0  }
0x1f: {  	s9 =	smul.u32 $0xF7A, s1;
	s8 =	simm.s32 @!p0 $0x1BF5;
	p2 =	por !p2, p0  }
0x20: {  	[sflag:s8] =	ssyncset.s32 @!p0 $0xFFFFF086;
	s6 =	sadd.s32 @!p0 s3, s7;
	s7 =	simm.s32 @!p0 $0x108  }
0x21: {  	s3 =	sadd.s32 s3, s9;
	s6 =	sadd.s32 @!p0 $0x88, s6;
	s7 =	simm.s32 @p2 $0x1082  }
0x22: {  	[simem:s7], [sflag:s8] =	dma.local @!p0 [hbm:s6], $0xF7A  }
0x23: {  	s9 =	sor.u32 $0xD0000000, s2;
	s6 =	simm.s32 $0x108;
	_ =	swait.ge @!p0 [sflag:s8], $0x0  }
0x24: {  	s3 =	sadd.s32 $0x88, s3;
	s6 =	simm.s32 @!p1 $0x1082;
	[sflag:s4] =	ssyncset.s32 $0xFFFFF086  }
0x25: {  	[simem:s6], [sflag:s4] =	dma.local [hbm:s3], $0xF7A  }
0x26: {  	[smem:$0x3F95] =	sst s1;
	(tag) =	ssettag s2;
	_ =	strace s9  }
0x27: {  	s1 =	sld [smem:$0x3FA5]  }
0x28: {  	s2 =	sld [smem:$0x3FA6]  }
0x29: {  	s4 =	sld [smem:$0x3FA8]  }
0x2a: {  	p0 =	seq.s32 s5, $0x0;
	s5 =	sld [smem:$0x3FA9]  }
0x2b: {  	s6 =	sld [smem:$0x3FAA]  }
0x2c: {  	s7 =	sld [smem:$0x3FAB]  }
0x2d: {  	s3 =	simm.s32 $0x108;
	s8 =	sld [smem:$0x3FAC]  }
0x2e: {  	s3 =	simm.s32 @!p0 $0x1082;
	s9 =	sld [smem:$0x3FAD]  }
0x2f: {  	lr =	sadd.s32 s0, s3;
	s0 =	sld [smem:$0x3FA4]  }
0x30: {  	s3 =	sld [smem:$0x3FA7]  }
0x31: {  	[smem:$0x3FB0] =	sst s10  }
0x32: {  	s10 =	sld [smem:$0x3FAE];
	_ =	sdelay $0x3  }
0x33: {  	p0 =	seq.s32 s10, $0x1;
	s10 =	sld [smem:$0x3FB0];
	_ =	sdelay $0x3  }
0x34: {  	[smem:$0x3FB0] =	sst s10  }
0x35: {  	s10 =	sld [smem:$0x3FAF];
	_ =	sdelay $0x3  }
0x36: {  	p1 =	seq.s32 s10, $0x1;
	s10 =	sld [smem:$0x3FB0];
	_ =	sdelay $0x3  }
0x37: {  	[smem:$0x3FB0] =	sst s10  }
0x38: {  	s10 =	sld [smem:$0x3FB1]  }
0x39: {  	_ = 	snop;
	(pc) =	sbr.ind lr, $3  }
0x3a: {  	_ = 	snop  }
0x3b: {  	_ = 	snop  }
0x3c: {  	p2 =	seq.s32 s10, $0x1;
	s10 =	sld [smem:$0x3FB0]  }
0x3d: {  	_ =	shalt  }
0x3e: {  	_ =	shalt  }
0x3f: {  	_ =	shalt  }
0x40: {  	_ =	shalt  }
0x41: {  	_ =	shalt  }
0x42: {  	_ =	shalt  }
0x43: {  	_ =	shalt  }
0x44: {  	_ =	shalt  }
0x45: {  	_ =	shalt  }
0x46: {  	_ =	shalt  }
0x47: {  	_ =	shalt  }
0x48: {  	_ =	shalt  }
0x49: {  	_ =	shalt  }
0x4a: {  	_ =	shalt  }
0x4b: {  	_ =	shalt  }
0x4c: {  	_ =	shalt  }
0x4d: {  	_ =	shalt  }
0x4e: {  	_ =	shalt  }
0x4f: {  	_ =	shalt  }
0x50: {  	_ =	shalt  }
0x51: {  	_ =	shalt  }
0x52: {  	_ =	shalt  }
0x53: {  	_ =	shalt  }
0x54: {  	_ =	shalt  }
0x55: {  	_ =	shalt  }
0x56: {  	_ =	shalt  }
0x57: {  	_ =	shalt  }
0x58: {  	_ =	shalt  }
0x59: {  	_ =	shalt  }
0x5a: {  	_ =	shalt  }
0x5b: {  	_ =	shalt  }
0x5c: {  	_ =	shalt  }
0x5d: {  	_ =	shalt  }
0x5e: {  	_ =	shalt  }
0x5f: {  	_ =	shalt  }
0x60: {  	_ =	shalt  }
0x61: {  	_ =	shalt  }
0x62: {  	_ =	shalt  }
0x63: {  	_ =	shalt  }
0x64: {  	_ =	shalt  }
0x65: {  	_ =	shalt  }
0x66: {  	_ =	shalt  }
0x67: {  	_ =	shalt  }
0x68: {  	_ =	shalt  }
0x69: {  	_ =	shalt  }
0x6a: {  	_ =	shalt  }
0x6b: {  	_ =	shalt  }
0x6c: {  	_ =	shalt  }
0x6d: {  	_ =	shalt  }
0x6e: {  	_ =	shalt  }
0x6f: {  	_ =	shalt  }
0x70: {  	_ =	shalt  }
0x71: {  	_ =	shalt  }
0x72: {  	_ =	shalt  }
0x73: {  	_ =	shalt  }
0x74: {  	_ =	shalt  }
0x75: {  	_ =	shalt  }
0x76: {  	_ =	shalt  }
0x77: {  	_ =	shalt  }
0x78: {  	_ =	shalt  }
0x79: {  	_ =	shalt  }
0x7a: {  	_ =	shalt  }
0x7b: {  	_ =	shalt  }
0x7c: {  	_ =	shalt  }
0x7d: {  	_ =	shalt  }
0x7e: {  	_ =	shalt  }
0x7f: {  	_ =	shalt  }
0x80: {  	_ =	shalt  }
0x81: {  	_ =	shalt  }
0x82: {  	_ =	shalt  }
0x83: {  	_ =	shalt  }
0x84: {  	_ =	shalt  }
0x85: {  	_ =	shalt  }
0x86: {  	_ =	shalt  }
0x87: {  	_ =	shalt  }
.Lfunc_end0:
.L_simem_size_0:
called_computation_lowered:
.L_overlay_start_0:
0x88: {  	s2 =	sld [smem:$0x3FD9]  }
0x89: {  	s3 =	sld [smem:$0x3FFE];
	_ =	sdelay $0x1  }
0x8a: {  	s1 =	srdreg.scid  }
0x8b: {  	s0 =	sand.u32 $0x1, s1  }
0x8c: {  	s14 =	sshll.u32 s0, $0xA;
	s2 =	sadd.s32 s3, s2  }
0x8d: {  	s2 =	sadd.s32 s2, s14  }
0x8e: {  	[smem:$0x3FBC] =	sst s2  }
0x8f: {  	_ = 	snop  }
0x90: {  	s2 =	sld [smem:$0x3FD0];
	_ =	sdelay $0x2  }
0x91: {  	s15 =	simm.s32 $0xA;
	s4 =	simm.s32 $0x10  }
0x92: {  	[smem:s4], [sflag:s15] =	dma.local [hbm:s2], $0x1  }
0x93: {  	_ =	swait.eq [sflag:s15], $0x1  }
0x94: {  	[sflag:s15] =	ssyncset.done $0x0  }
0x95: {  	[sflag:s15] =	ssyncadd.s32 $0xFFFFFFFF  }
0x96: {  	s16 =	sld [smem:$0x11];
	(tm) =	ssettm $0x1  }
0x97: {  	s17 =	sld [smem:$0x3FFB];
	_ =	sdelay $0x3  }
0x98: {  	_ =	strace s17  }
0x99: {  	s3 =	sld [smem:$0x3FFC];
	_ =	sdelay $0x3  }
0x9a: {  	_ =	strace s3  }
0x9b: {  	s3 =	sld [smem:$0x3FFD];
	_ =	sdelay $0x3  }
0x9c: {  	_ =	strace s3  }
0x9d: {  	_ =	strace $0x8FFFFFFF  }
0x9e: {  	s18 =	sld [smem:$0x3FDB];
	_ =	sdelay $0x1  }
0x9f: {  	s19 =	simm.s32 $_scs_section_size  }
0xa0: {  	s5 =	simm.s32 $_size__tile_overlayer_lowered;
	s6 =	simm.s32 $_tile_overlayer_lowered  }
0xa1: {  	s22 =	simm.s32 $0x1BFF;
	s21 =	sshll.u32 s6, $0x1;
	s3 =	sadd.s32 s19, s18  }
0xa2: {  	s7 =	simm.s32 $0x0;
	s20 =	sshll.u32 s5, $0x1;
	s5 =	sadd.s32 s21, s3  }
0xa3: {  	[timem:s7], [sflag:s22] =	dma.local [hbm:s5], s20  }
0xa4: {  	_ =	swait.ge [sflag:s22], s20  }
0xa5: {  	s4 =	ssub.s32 $0x0, s20;
	[sflag:s22] =	ssyncset.done $0x0  }
0xa6: {  	[sflag:s22] =	ssyncadd.s32 s4;
	_ =	sdelay $0x1  }
0xa7: {  	s23 =	simm.s32 $0x1B8B  }
0xa8: {  	_ =	swait.ge [sflag:s23], $0x1  }
0xa9: {  	[sflag:s23] =	ssyncset.done $0x0  }
0xaa: {  	s25 =	simm.s32 $0x1B8E;
	s24 =	sld [smem:$0x3FFE];
	[sflag:s23] =	ssyncadd.s32 $0xFFFFFFFF  }
0xab: {  	s26 =	simm.s32 $execute0_lowered;
	[smem:$0x3FD2] =	sst s25  }
0xac: {  	s5 =	sshll.u32 s26, $0x1;
	_ =	strace $0x80000046;
	[dreg:$0x1] =	wrdreg $0xFFFFFFFF  }
0xad: {  	s28 =	simm.s32 $_size_execute0_lowered;
	s3 =	sadd.s32 s3, s5;
	[dreg:$0x0] =	wrdreg $0x0  }
0xae: {  	s5 =	sshll.u32 s28, $0x1;
	[dreg:$0x2] =	wrdreg s3  }
0xaf: {  	[dreg:$0x3] =	wrdreg s5  }
0xb0: {  	[dreg:$0x4] =	wrdreg $0xC0  }
0xb1: {  	_ =	task [dreg:s7], $0x5FFFF  }
0xb2: {  	[dreg:$0x1] =	wrdreg $0xFFFFFFFF  }
0xb3: {  	[dreg:$0x0] =	wrdreg $0x60  }
0xb4: {  	[dreg:$0x2] =	wrdreg s24  }
0xb5: {  	[dreg:$0x3] =	wrdreg s16  }
0xb6: {  	[dreg:$0x4] =	wrdreg $0x9  }
0xb7: {  	_ =	task.clear_ibuf [dreg:s7], $0x5FFFF;
	_ =	strace $0x90000046  }
0xb8: {  	s29 =	simm.s32 $0x9;
	_ =	strace $0x80000048  }
0xb9: {  	_ =	swait.ge [sflag:s29], $0x1  }
0xba: {  	[sflag:s29] =	ssyncadd.s32 $0xFFFFFFFF  }
0xbb: {  	_ =	strace $0x90000048  }
0xbc: {  	_ =	sfence  }
0xbd: {  	s30 =	sld [smem:$0x0];
	_ =	sdelay $0x2  }
0xbe: {  	s31 =	sshll.u32 s1, $0xD;
	s1 =	sshrl.u32 s1, $0x2  }
0xbf: {  	s3 =	sand.u32 $0x4000, s31;
	s1 =	sadd.s32 s1, s30  }
0xc0: {  	s0 =	sor.u32 s3, s0;
	s1 =	sshll.u32 s1, $0x11  }
0xc1: {  	s0 =	sor.u32 s1, s0  }
0xc2: {  	s0 =	sadd.s32 $0x8F2B, s0  }
0xc3: {  	[sflag:s0] =	ssyncadd.remote.s32 $0x1  }
0xc4: {  	_ =	sfence.sel $0xFFFF  }
0xc5: {  	[dreg:$0x0] =	wrdreg $0xFFFFFFFF;
	(pc) =	sbr.abs _section_cstart, $3  }
0xc6: {  	[dreg:$0x1] =	wrdreg $0xFFFFFFFF  }
0xc7: {  	_ =	task.clear_ibuf [dreg:s7], $0x2FFFF;
	_ =	strace $0x9FFFFFFF  }
0xc8: {  	(tm) =	ssettm $0x7FFFFFFF  }
0xc9: {  	_ =	shalt  }
tec
execute0_lowered:
.L_overlay_start_1:
0x0: {  	(tag) =	ssettag $0x1  }
0x1: {  	s1 =	srdreg.scid;
	s0 =	stileid.u32  }
0x2: {  	s9 =	rddreg [dreg:$0x0];
	s10 =	sand.u32 $0x1, s1;
	s30 =	sshll.u32 s0, $0x1  }
0x3: {  	s3 =	rddreg [dreg:$0x1];
	s6 =	sor.u32 s10, s30  }
0x4: {  	s2 =	simm.s32 $0x0;
	s1 =	rddreg [dreg:$0x2];
	s11 =	smul.u32 $0xC8, s6  }
0x5: {  	[smem:$0x7FF] =	sst s2  }
0x6: {  	_ =	strace $0x80000047;
	s4 =	sadd.s32 s3, s11;
	s3 =	simm.s32 $0x2  }
0x7: {  	[tilespmem:s2], [sflag:$0x2] =	stream.linear.gather [hbm4b:s4+s2], $0x640, $0x38;
	[tilespmem:$0x19640] =	vst v63  }
0x8: {  	_ =	swait.ge [sflag:s3], $0x640  }
0x9: {  	s7 =	simm.s32 $0x1;
	s5 =	sadd.s32 $0xF46200, s9;
	[sflag:s3] =	ssyncset.done $0x0  }
0xa: {  	s8 =	smul.u32 $0x3200, s6;
	s6 =	simm.s32 $0x640;
	[sflag:s3] =	ssyncadd.s32 $0xFFFFF9C0  }
0xb: {  	[tilespmem:s6], [sflag:$0x1] =	stream.indirect.gather [hbm4b:s5+s6], $0x40, s2, s6, $0xb8;
	[tilespmem:$0x19640] =	vst v63  }
0xc: {  	_ =	swait.ge [sflag:s7], $0x19000  }
0xd: {  	s12 =	sadd.s32 s8, s9;
	[sflag:s7] =	ssyncset.done $0x0  }
0xe: {  	s8 =	sadd.s32 $0x5800, s12;
	[sflag:s7] =	ssyncadd.s32 $0xFFFE7000  }
0xf: {  	[hbm4b:s8+s2] =	stream.linear.scatter [tilespmem:s6], [sflag:$0x2], $0x19000, $0x38;
	[tilespmem:$0x19640] =	vst v63  }
0x10: {  	_ =	swait.ge [sflag:s3], $0x19000  }
0x11: {  	s9 =	sadd.s32 s11, s9;
	[sflag:s3] =	ssyncset.done $0x0  }
0x12: {  	s10 =	ssub.s32 $0x2, s10;
	s9 =	sadd.s32 $0x3E00, s9;
	[sflag:s3] =	ssyncadd.s32 $0xFFFE7000  }
0x13: {  	[tilespmem:s2], [sflag:$0x2] =	stream.linear.gather [hbm4b:s9+s2], $0x640, $0x38;
	[tilespmem:$0x19640] =	vst v63  }
0x14: {  	s31 =	sshrl.u32 s10, $0x1;
	_ =	swait.ge [sflag:s3], $0x640  }
0x15: {  	s11 =	ssub.s32 s10, s31;
	[sflag:s3] =	ssyncset.done $0x0  }
0x16: {  	s11 =	smax.u32 s11, $0x1;
	[sflag:s3] =	ssyncadd.s32 $0xFFFFF9C0  }
0x17: {  	[tilespmem:s6], [sflag:$0x1] =	stream.indirect.gather [hbm4b:s5+s6], $0x40, s2, s6, $0xb8;
	[tilespmem:$0x19640] =	vst v63  }
0x18: {  	p0 =	sne.s32 s11, $0x1;
	_ =	swait.ge [sflag:s7], $0x19000  }
.Ltmp0:
0x19: {  	[sflag:s7] =	ssyncset.done $0x0;
	(pc) =	sbr.rel @!p0 .LBB2_2-.Ltmp0, $4  }
0x1a: {  	s10 =	sadd.s32 $0x69800, s12;
	[sflag:s7] =	ssyncadd.s32 $0xFFFE7000  }
0x1b: {  	[hbm4b:s10+s2] =	stream.linear.scatter [tilespmem:s6], [sflag:$0x2], $0x19000, $0x38;
	[tilespmem:$0x19640] =	vst v63  }
0x1c: {  	_ =	swait.ge [sflag:s3], $0x19000  }
0x1d: {  	s11 =	sadd.s32 $0xFFFFFFFF, s11;
	[sflag:s3] =	ssyncset.done $0x0  }
.LBB2_1:
0x1e: {  	p0 =	sne.s32 s11, $0x1;
	s11 =	sadd.s32 $0xFFFFFFFF, s11;
	[sflag:s3] =	ssyncadd.s32 $0xFFFE7000  }
0x1f: {  	[tilespmem:s2], [sflag:$0x2] =	stream.linear.gather [hbm4b:s4+s2], $0x640, $0x38;
	[tilespmem:$0x19640] =	vst v63  }
0x20: {  	_ =	swait.ge [sflag:s3], $0x640  }
0x21: {  	[sflag:s3] =	ssyncset.done $0x0  }
0x22: {  	[sflag:s3] =	ssyncadd.s32 $0xFFFFF9C0  }
0x23: {  	[tilespmem:s6], [sflag:$0x1] =	stream.indirect.gather [hbm4b:s5+s6], $0x40, s2, s6, $0xb8;
	[tilespmem:$0x19640] =	vst v63  }
0x24: {  	_ =	swait.ge [sflag:s7], $0x19000  }
0x25: {  	[sflag:s7] =	ssyncset.done $0x0  }
0x26: {  	[sflag:s7] =	ssyncadd.s32 $0xFFFE7000  }
0x27: {  	[hbm4b:s8+s2] =	stream.linear.scatter [tilespmem:s6], [sflag:$0x2], $0x19000, $0x38;
	[tilespmem:$0x19640] =	vst v63  }
0x28: {  	_ =	swait.ge [sflag:s3], $0x19000  }
0x29: {  	[sflag:s3] =	ssyncset.done $0x0  }
0x2a: {  	[sflag:s3] =	ssyncadd.s32 $0xFFFE7000  }
0x2b: {  	[tilespmem:s2], [sflag:$0x2] =	stream.linear.gather [hbm4b:s9+s2], $0x640, $0x38;
	[tilespmem:$0x19640] =	vst v63  }
0x2c: {  	_ =	swait.ge [sflag:s3], $0x640  }
0x2d: {  	[sflag:s3] =	ssyncset.done $0x0  }
0x2e: {  	[sflag:s3] =	ssyncadd.s32 $0xFFFFF9C0  }
0x2f: {  	[tilespmem:s6], [sflag:$0x1] =	stream.indirect.gather [hbm4b:s5+s6], $0x40, s2, s6, $0xb8;
	[tilespmem:$0x19640] =	vst v63  }
0x30: {  	_ =	swait.ge [sflag:s7], $0x19000  }
.Ltmp1:
0x31: {  	[sflag:s7] =	ssyncset.done $0x0;
	(pc) =	sbr.rel @p0 .LBB2_1-.Ltmp1, $4  }
0x32: {  	[sflag:s7] =	ssyncadd.s32 $0xFFFE7000  }
0x33: {  	[hbm4b:s10+s2] =	stream.linear.scatter [tilespmem:s6], [sflag:$0x2], $0x19000, $0x38;
	[tilespmem:$0x19640] =	vst v63  }
0x34: {  	_ =	swait.ge [sflag:s3], $0x19000  }
0x35: {  	[sflag:s3] =	ssyncset.done $0x0  }
.LBB2_2:
0x36: {  	[sflag:s3] =	ssyncadd.s32 $0xFFFE7000  }
0x37: {  	_ =	sfence.sel $0x180000  }
0x38: {  	[bflag:$0x0] =	sbarrier.arrive $0xFFFF  }
0x39: {  	p0 =	sne.s32 s0, $0x0;
	_ =	strace $0x90000047  }
0x3a: {  	s0 =	sadd.s32 @!p0 $0x100000, s1;
	[bflag:$0x2] =	sbarrier.arrive $0xFFFF  }
0x3b: {  	[sflag:s0] =	ssyncadd.tile.s32 @!p0 $0x1;
	_ =	shalt  }
.Lfunc_end2:
_tile_overlayer_lowered:
.L_overlay_start_2:
0x3c: {  	(tag) =	ssettag $0x2  }
0x3d: {  	s0 =	rddreg [dreg:$0x0];
	s2 =	stileid.u32  }
0x3e: {  	s1 =	rddreg [dreg:$0x1];
	p0 =	sne.s32 s2, $0x0  }
0x3f: {  	s3 =	rddreg [dreg:$0x2];
	[bflag:$0x3] =	sbarrier.arrive $0xFFFF;
	s2 =	simm.s32 @!p0 $0x1C02  }
0x40: {  	[timem:s3], [sflag:s2] =	dma.local @!p0 [hbm:s0], s1  }
0x41: {  	s0 =	simm.s32 @!p0 $0x2  }
0x42: {  	_ =	swait.ge @!p0 [sflag:s0], s1  }
0x43: {  	s1 =	ssub.s32 @!p0 $0x0, s1;
	[sflag:s0] =	ssyncset.done @!p0 $0x0  }
0x44: {  	[sflag:s0] =	ssyncadd.s32 @!p0 s1  }
0x45: {  	[bflag:$0x3] =	sbarrier.arrive $0xFFFF  }
0x46: {  	_ =	shalt  }

</sc_bundles>
